<compile_context>
chip_gen: v7x
topology: tpu7x:2x2x1
jax: 0.10.2.dev20260603
libtpu: 0.0.44.dev20260713+nightly
codegen_flags: <defaults>
</compile_context>

<pallas_src>
import functools

import jax
import jax.numpy as jnp
from jax import lax
from jax.experimental import pallas as pl
from jax.experimental.pallas import tpu as pltpu
from jax.experimental.pallas import tpu_sc as plsc

N = 1_000_000
TAU = 0.9

BLK = 524288
ROWS = BLK // 128
GRID = (N + BLK - 1) // BLK
TAIL = N - (GRID - 1) * BLK

FBLK = 1024
FROWS = FBLK // 128


def _local_iota():
    r = jax.lax.broadcasted_iota(jnp.int32, (ROWS, 128), 0)
    c = jax.lax.broadcasted_iota(jnp.int32, (ROWS, 128), 1)
    return r * 128 + c


def _main_body(sc_ref, vm_ref, wl_ref, ls_ref,
               v_out, widx_out, mx, best, bidx):
    i = pl.program_id(0)

    @pl.when(i == 0)
    def _():
        mx[0] = -jnp.inf

    @pl.when(i < GRID - 1)
    def _():
        mx[0] = jnp.maximum(mx[0], jnp.max(wl_ref[...]))

    @pl.when(i == GRID - 1)
    def _():
        x = wl_ref[...].reshape(ROWS, 128)
        bmax = jnp.max(jnp.where(_local_iota() < TAIL, x, -jnp.inf))
        mx[0] = jnp.maximum(mx[0], bmax)
        best[0] = -jnp.inf
        bidx[0] = 0

    @pl.when(i >= GRID)
    def _():
        denom = mx[0] + 1e-06
        ic = sc_ref[0]
        tsf = sc_ref[1]

        vm = vm_ref[...].reshape(ROWS, 128)
        wl = wl_ref[...].reshape(ROWS, 128)
        ls = ls_ref[...].reshape(ROWS, 128)

        v = TAU * vm + (1.0 - wl / denom)
        v = v + ic * (1.0 / (wl + 0.1))
        v = v + 0.1 * jnp.log1p(tsf - ls)

        v_out[...] = v.reshape(BLK)

        li = _local_iota()

        @pl.when(i < 2 * GRID - 1)
        def _():
            bmax = jnp.max(v)
            cand = jnp.min(jnp.where(v == bmax, li, jnp.int32(N)))
            pred = bmax > best[0]
            bidx[0] = jnp.where(pred, (i - GRID) * BLK + cand, bidx[0])
            best[0] = jnp.where(pred, bmax, best[0])

        @pl.when(i == 2 * GRID - 1)
        def _():
            masked = jnp.where(li < TAIL, v, -jnp.inf)
            bmax = jnp.max(masked)
            cand = jnp.min(jnp.where(masked == bmax, li, jnp.int32(N)))
            pred = bmax > best[0]
            widx_out[0] = jnp.where(pred, (i - GRID) * BLK + cand, bidx[0])


_NW = 32
_CH = 31248
_SCTAIL = N - _NW * _CH


def _sc_copy_body(wl_hbm, ls_hbm, wlo_hbm, lso_hbm, b1, b2, bt):
    wid = lax.axis_index("s") * 2 + lax.axis_index("c")
    base = wid * _CH
    pltpu.sync_copy(wl_hbm.at[pl.ds(base, _CH)], b1)
    pltpu.sync_copy(b1, wlo_hbm.at[pl.ds(base, _CH)])
    pltpu.sync_copy(ls_hbm.at[pl.ds(base, _CH)], b2)
    pltpu.sync_copy(b2, lso_hbm.at[pl.ds(base, _CH)])

    @pl.when(wid == 0)
    def _():
        tb = _NW * _CH
        pltpu.sync_copy(wl_hbm.at[pl.ds(tb, _SCTAIL)], bt)
        pltpu.sync_copy(bt, wlo_hbm.at[pl.ds(tb, _SCTAIL)])
        pltpu.sync_copy(ls_hbm.at[pl.ds(tb, _SCTAIL)], bt)
        pltpu.sync_copy(bt, lso_hbm.at[pl.ds(tb, _SCTAIL)])


def _sc_copy(worker_load, last_spike):
    f32 = jnp.float32
    run = functools.partial(
        pl.kernel,
        out_type=[jax.ShapeDtypeStruct((N,), f32)] * 2,
        mesh=plsc.VectorSubcoreMesh(core_axis_name="c", subcore_axis_name="s"),
        scratch_types=[pltpu.VMEM((_CH,), f32), pltpu.VMEM((_CH,), f32),
                       pltpu.VMEM((_SCTAIL,), f32)],
    )(_sc_copy_body)
    return run(worker_load, last_spike)


def _fix_body(w_ref, sc_ref, v_ref, wl_ref, ls_ref, vo_ref, wlo_ref, lso_ref):
    off = w_ref[0] % FBLK
    add = sc_ref[2]
    tsf = sc_ref[1]
    r = jax.lax.broadcasted_iota(jnp.int32, (FROWS, 128), 0)
    c = jax.lax.broadcasted_iota(jnp.int32, (FROWS, 128), 1)
    hit = (r * 128 + c) == off
    v = v_ref[...].reshape(FROWS, 128)
    wl = wl_ref[...].reshape(FROWS, 128)
    ls = ls_ref[...].reshape(FROWS, 128)
    vo_ref[...] = jnp.where(hit, 0.0, v).reshape(FBLK)
    wlo_ref[...] = jnp.where(hit, wl + add, wl).reshape(FBLK)
    lso_ref[...] = jnp.where(hit, tsf, ls).reshape(FBLK)


def kernel(v_mem, worker_load, last_spike, task_priority, task_complexity, timestep):
    f32 = jnp.float32
    tsf = f32(timestep)
    ic = task_priority * (1.0 + task_complexity)
    sc = jnp.stack([ic, tsf, task_complexity])

    wl_ix = lambda i: (jnp.where(i < GRID, i, i - GRID),)
    b_ix = lambda i: (jnp.maximum(i - GRID, 0),)
    smem = pl.BlockSpec(memory_space=pltpu.SMEM)
    wl_c, ls_c = _sc_copy(worker_load, last_spike)

    v, widx = pl.pallas_call(
        _main_body,
        grid=(2 * GRID,),
        in_specs=[smem,
                  pl.BlockSpec((BLK,), b_ix),
                  pl.BlockSpec((BLK,), wl_ix),
                  pl.BlockSpec((BLK,), b_ix)],
        out_specs=[pl.BlockSpec((BLK,), b_ix), smem],
        out_shape=[
            jax.ShapeDtypeStruct((N,), f32),
            jax.ShapeDtypeStruct((1,), jnp.int32),
        ],
        scratch_shapes=[pltpu.SMEM((1,), f32), pltpu.SMEM((1,), f32),
                        pltpu.SMEM((1,), jnp.int32)],
        compiler_params=pltpu.CompilerParams(
            dimension_semantics=("arbitrary",)),
    )(sc, v_mem, worker_load, last_spike)

    fblk = pl.BlockSpec((FBLK,), lambda i, w: (w[0] // FBLK,))
    grid_spec = pltpu.PrefetchScalarGridSpec(
        num_scalar_prefetch=1,
        grid=(1,),
        in_specs=[smem, fblk, fblk, fblk],
        out_specs=[fblk, fblk, fblk],
    )
    v_new, wl_new, ls_new = pl.pallas_call(
        _fix_body,
        grid_spec=grid_spec,
        out_shape=[jax.ShapeDtypeStruct((N,), f32)] * 3,
        input_output_aliases={2: 0, 3: 1, 4: 2},
    )(widx, sc, v, wl_c, ls_c)

    return widx[0], v_new, wl_new, ls_new

# --- scband reference (transcript-rebuilt; emitter-appended) ---
"""Pipeline reference for scband-lifscheduler-neuron-66254165508414 (READ-ONLY COPY).

The authoritative reference and input builder live on the scoring server;
editing this copy changes nothing except your own understanding.
"""

import jax, jax.numpy as jnp
import numpy as np

NUM_WORKERS = 1000000
TAU = 0.9
THRESHOLD = 1.0


def setup_inputs(seed: int = 0) -> dict:
    key = jax.random.key(seed)
    k1, k2, k3, k4, k5 = jax.random.split(key, 5)
    # persistent neuron state buffers (registered buffers in the torch module)
    v_mem = jax.random.uniform(k1, (NUM_WORKERS,), dtype=jnp.float32)
    worker_load = jax.random.uniform(k2, (NUM_WORKERS,), dtype=jnp.float32) * 5.0
    last_spike = jnp.floor(jax.random.uniform(k3, (NUM_WORKERS,), dtype=jnp.float32) * 50.0)
    # scalar forward args
    task_priority = jax.random.uniform(k4, (), dtype=jnp.float32)
    task_complexity = jax.random.uniform(k5, (), dtype=jnp.float32)
    timestep = 100
    return {
        "v_mem": v_mem,
        "worker_load": worker_load,
        "last_spike": last_spike,
        "task_priority": task_priority,
        "task_complexity": task_complexity,
        "timestep": timestep,
    }


def reference(v_mem, worker_load, last_spike, task_priority, task_complexity, timestep):
    # input current driven by task urgency and complexity
    input_current = task_priority * (1.0 + task_complexity)
    # leaky integration + load-balance drive
    v = TAU * v_mem + (1.0 - worker_load / (jnp.max(worker_load) + 1e-06))
    # load-weighted input current
    load_weight = 1.0 / (worker_load + 0.1)
    v = v + input_current * load_weight
    # refractory-recovery bonus
    time_since_spike = jnp.float32(timestep) - last_spike
    v = v + 0.1 * jnp.log1p(time_since_spike)
    # winner-take-all spike: argmax over membrane potentials
    worker_id = jnp.argmax(v)
    # reset winning neuron and update its state buffers
    v_new = v.at[worker_id].set(0.0)
    worker_load_new = worker_load.at[worker_id].add(task_complexity)
    last_spike_new = last_spike.at[worker_id].set(jnp.float32(timestep))
    return worker_id, v_new, worker_load_new, last_spike_new

if __name__ == "__main__":
    import jax
    _d = setup_inputs()
    print(jax.jit(kernel)(*tuple(_d.values())))

</pallas_src>

<mosaic_0001>
#map = affine_map<(d0, d1) -> (0)>
module attributes {stable_mosaic.version = 14 : i64} {
  func.func @_sc_copy_body(%arg0: i32, %arg1: i32, %arg2: memref<1000000xf32, #tpu.memory_space<hbm>>, %arg3: memref<1000000xf32, #tpu.memory_space<hbm>>, %arg4: memref<1000000xf32, #tpu.memory_space<hbm>>, %arg5: memref<1000000xf32, #tpu.memory_space<hbm>>, %arg6: memref<31248xf32, #tpu.memory_space<vmem>>, %arg7: memref<31248xf32, #tpu.memory_space<vmem>>, %arg8: memref<64xf32, #tpu.memory_space<vmem>>) attributes {dimension_semantics = [#tpu.dimension_semantics<core_parallel>, #tpu.dimension_semantics<subcore_parallel>], iteration_bounds = array<i64: 2, 16>, scalar_prefetch = 0 : i64, scratch_operands = 3 : i64, tpu.core_type = #tpu.core_type<sc_vector_subcore>, window_params = [{transform_indices = #map}, {transform_indices = #map}, {transform_indices = #map}, {transform_indices = #map}]} {
    %mul3A = arith.constant 2 : i32
    %mul3A_0 = arith.muli %arg1, %mul3A : i32
    %add3A = arith.addi %mul3A_0, %arg0 : i32
    %mul3A_1 = arith.constant 31248 : i32
    %mul3A_2 = arith.muli %add3A, %mul3A_1 : i32
    "tpu.region"() ({
      %run_scoped3A = tpu.sem_alloc : memref<!tpu.dma_semaphore, #tpu.memory_space<semaphore_mem>>
      %dma_start3A = tpu.memref_slice %arg2[%mul3A_2] : memref<1000000xf32, #tpu.memory_space<hbm>> -> memref<31248xf32, #tpu.memory_space<hbm>>
      %dma_start3A_5 = tpu.memref_slice %arg2[%mul3A_2] : memref<1000000xf32, #tpu.memory_space<hbm>> -> memref<31248xf32, #tpu.memory_space<hbm>>
      tpu.enqueue_dma source(%dma_start3A_5 : memref<31248xf32, #tpu.memory_space<hbm>>) target(%arg6 : memref<31248xf32, #tpu.memory_space<vmem>>) target_semaphore(%run_scoped3A : memref<!tpu.dma_semaphore, #tpu.memory_space<semaphore_mem>>)
      %dma_wait3A = tpu.memref_slice %arg2[%mul3A_2] : memref<1000000xf32, #tpu.memory_space<hbm>> -> memref<31248xf32, #tpu.memory_space<hbm>>
      %dma_wait3A_6 = tpu.memref_slice %arg2[%mul3A_2] : memref<1000000xf32, #tpu.memory_space<hbm>> -> memref<31248xf32, #tpu.memory_space<hbm>>
      tpu.wait_dma2 semaphore(%run_scoped3A : memref<!tpu.dma_semaphore, #tpu.memory_space<semaphore_mem>>) src(%dma_wait3A_6 : memref<31248xf32, #tpu.memory_space<hbm>>) dst(%arg6 : memref<31248xf32, #tpu.memory_space<vmem>>)
      tpu.yield
    }) : () -> ()
    "tpu.region"() ({
      %run_scoped3A = tpu.sem_alloc : memref<!tpu.dma_semaphore, #tpu.memory_space<semaphore_mem>>
      %dma_start3A = tpu.memref_slice %arg4[%mul3A_2] : memref<1000000xf32, #tpu.memory_space<hbm>> -> memref<31248xf32, #tpu.memory_space<hbm>>
      %dma_start3A_5 = tpu.memref_slice %arg4[%mul3A_2] : memref<1000000xf32, #tpu.memory_space<hbm>> -> memref<31248xf32, #tpu.memory_space<hbm>>
      tpu.enqueue_dma source(%arg6 : memref<31248xf32, #tpu.memory_space<vmem>>) target(%dma_start3A_5 : memref<31248xf32, #tpu.memory_space<hbm>>) target_semaphore(%run_scoped3A : memref<!tpu.dma_semaphore, #tpu.memory_space<semaphore_mem>>)
      %dma_wait3A = tpu.memref_slice %arg4[%mul3A_2] : memref<1000000xf32, #tpu.memory_space<hbm>> -> memref<31248xf32, #tpu.memory_space<hbm>>
      %dma_wait3A_6 = tpu.memref_slice %arg4[%mul3A_2] : memref<1000000xf32, #tpu.memory_space<hbm>> -> memref<31248xf32, #tpu.memory_space<hbm>>
      tpu.wait_dma2 semaphore(%run_scoped3A : memref<!tpu.dma_semaphore, #tpu.memory_space<semaphore_mem>>) src(%arg6 : memref<31248xf32, #tpu.memory_space<vmem>>) dst(%dma_wait3A_6 : memref<31248xf32, #tpu.memory_space<hbm>>)
      tpu.yield
    }) : () -> ()
    "tpu.region"() ({
      %run_scoped3A = tpu.sem_alloc : memref<!tpu.dma_semaphore, #tpu.memory_space<semaphore_mem>>
      %dma_start3A = tpu.memref_slice %arg3[%mul3A_2] : memref<1000000xf32, #tpu.memory_space<hbm>> -> memref<31248xf32, #tpu.memory_space<hbm>>
      %dma_start3A_5 = tpu.memref_slice %arg3[%mul3A_2] : memref<1000000xf32, #tpu.memory_space<hbm>> -> memref<31248xf32, #tpu.memory_space<hbm>>
      tpu.enqueue_dma source(%dma_start3A_5 : memref<31248xf32, #tpu.memory_space<hbm>>) target(%arg7 : memref<31248xf32, #tpu.memory_space<vmem>>) target_semaphore(%run_scoped3A : memref<!tpu.dma_semaphore, #tpu.memory_space<semaphore_mem>>)
      %dma_wait3A = tpu.memref_slice %arg3[%mul3A_2] : memref<1000000xf32, #tpu.memory_space<hbm>> -> memref<31248xf32, #tpu.memory_space<hbm>>
      %dma_wait3A_6 = tpu.memref_slice %arg3[%mul3A_2] : memref<1000000xf32, #tpu.memory_space<hbm>> -> memref<31248xf32, #tpu.memory_space<hbm>>
      tpu.wait_dma2 semaphore(%run_scoped3A : memref<!tpu.dma_semaphore, #tpu.memory_space<semaphore_mem>>) src(%dma_wait3A_6 : memref<31248xf32, #tpu.memory_space<hbm>>) dst(%arg7 : memref<31248xf32, #tpu.memory_space<vmem>>)
      tpu.yield
    }) : () -> ()
    "tpu.region"() ({
      %run_scoped3A = tpu.sem_alloc : memref<!tpu.dma_semaphore, #tpu.memory_space<semaphore_mem>>
      %dma_start3A = tpu.memref_slice %arg5[%mul3A_2] : memref<1000000xf32, #tpu.memory_space<hbm>> -> memref<31248xf32, #tpu.memory_space<hbm>>
      %dma_start3A_5 = tpu.memref_slice %arg5[%mul3A_2] : memref<1000000xf32, #tpu.memory_space<hbm>> -> memref<31248xf32, #tpu.memory_space<hbm>>
      tpu.enqueue_dma source(%arg7 : memref<31248xf32, #tpu.memory_space<vmem>>) target(%dma_start3A_5 : memref<31248xf32, #tpu.memory_space<hbm>>) target_semaphore(%run_scoped3A : memref<!tpu.dma_semaphore, #tpu.memory_space<semaphore_mem>>)
      %dma_wait3A = tpu.memref_slice %arg5[%mul3A_2] : memref<1000000xf32, #tpu.memory_space<hbm>> -> memref<31248xf32, #tpu.memory_space<hbm>>
      %dma_wait3A_6 = tpu.memref_slice %arg5[%mul3A_2] : memref<1000000xf32, #tpu.memory_space<hbm>> -> memref<31248xf32, #tpu.memory_space<hbm>>
      tpu.wait_dma2 semaphore(%run_scoped3A : memref<!tpu.dma_semaphore, #tpu.memory_space<semaphore_mem>>) src(%arg7 : memref<31248xf32, #tpu.memory_space<vmem>>) dst(%dma_wait3A_6 : memref<31248xf32, #tpu.memory_space<hbm>>)
      tpu.yield
    }) : () -> ()
    %eq3A = arith.constant 0 : i32
    %eq3A_3 = arith.cmpi eq, %add3A, %eq3A : i32
    %convert_element_type3A = arith.extui %eq3A_3 : i1 to i32
    %cond3A = arith.constant 0 : i32
    %cond3A_4 = arith.cmpi ne, %convert_element_type3A, %cond3A : i32
    scf.if %cond3A_4 {
      "tpu.region"() ({
        %run_scoped3A = tpu.sem_alloc : memref<!tpu.dma_semaphore, #tpu.memory_space<semaphore_mem>>
        %dma_start3A = arith.constant 999936 : i32
        %dma_start3A_5 = tpu.memref_slice %arg2[%dma_start3A] : memref<1000000xf32, #tpu.memory_space<hbm>> -> memref<64xf32, #tpu.memory_space<hbm>>
        %dma_start3A_6 = arith.constant 999936 : i32
        %dma_start3A_7 = tpu.memref_slice %arg2[%dma_start3A_6] : memref<1000000xf32, #tpu.memory_space<hbm>> -> memref<64xf32, #tpu.memory_space<hbm>>
        tpu.enqueue_dma source(%dma_start3A_7 : memref<64xf32, #tpu.memory_space<hbm>>) target(%arg8 : memref<64xf32, #tpu.memory_space<vmem>>) target_semaphore(%run_scoped3A : memref<!tpu.dma_semaphore, #tpu.memory_space<semaphore_mem>>)
        %dma_wait3A = arith.constant 999936 : i32
        %dma_wait3A_8 = tpu.memref_slice %arg2[%dma_wait3A] : memref<1000000xf32, #tpu.memory_space<hbm>> -> memref<64xf32, #tpu.memory_space<hbm>>
        %dma_wait3A_9 = arith.constant 999936 : i32
        %dma_wait3A_10 = tpu.memref_slice %arg2[%dma_wait3A_9] : memref<1000000xf32, #tpu.memory_space<hbm>> -> memref<64xf32, #tpu.memory_space<hbm>>
        tpu.wait_dma2 semaphore(%run_scoped3A : memref<!tpu.dma_semaphore, #tpu.memory_space<semaphore_mem>>) src(%dma_wait3A_10 : memref<64xf32, #tpu.memory_space<hbm>>) dst(%arg8 : memref<64xf32, #tpu.memory_space<vmem>>)
        tpu.yield
      }) : () -> ()
      "tpu.region"() ({
        %run_scoped3A = tpu.sem_alloc : memref<!tpu.dma_semaphore, #tpu.memory_space<semaphore_mem>>
        %dma_start3A = arith.constant 999936 : i32
        %dma_start3A_5 = tpu.memref_slice %arg4[%dma_start3A] : memref<1000000xf32, #tpu.memory_space<hbm>> -> memref<64xf32, #tpu.memory_space<hbm>>
        %dma_start3A_6 = arith.constant 999936 : i32
        %dma_start3A_7 = tpu.memref_slice %arg4[%dma_start3A_6] : memref<1000000xf32, #tpu.memory_space<hbm>> -> memref<64xf32, #tpu.memory_space<hbm>>
        tpu.enqueue_dma source(%arg8 : memref<64xf32, #tpu.memory_space<vmem>>) target(%dma_start3A_7 : memref<64xf32, #tpu.memory_space<hbm>>) target_semaphore(%run_scoped3A : memref<!tpu.dma_semaphore, #tpu.memory_space<semaphore_mem>>)
        %dma_wait3A = arith.constant 999936 : i32
        %dma_wait3A_8 = tpu.memref_slice %arg4[%dma_wait3A] : memref<1000000xf32, #tpu.memory_space<hbm>> -> memref<64xf32, #tpu.memory_space<hbm>>
        %dma_wait3A_9 = arith.constant 999936 : i32
        %dma_wait3A_10 = tpu.memref_slice %arg4[%dma_wait3A_9] : memref<1000000xf32, #tpu.memory_space<hbm>> -> memref<64xf32, #tpu.memory_space<hbm>>
        tpu.wait_dma2 semaphore(%run_scoped3A : memref<!tpu.dma_semaphore, #tpu.memory_space<semaphore_mem>>) src(%arg8 : memref<64xf32, #tpu.memory_space<vmem>>) dst(%dma_wait3A_10 : memref<64xf32, #tpu.memory_space<hbm>>)
        tpu.yield
      }) : () -> ()
      "tpu.region"() ({
        %run_scoped3A = tpu.sem_alloc : memref<!tpu.dma_semaphore, #tpu.memory_space<semaphore_mem>>
        %dma_start3A = arith.constant 999936 : i32
        %dma_start3A_5 = tpu.memref_slice %arg3[%dma_start3A] : memref<1000000xf32, #tpu.memory_space<hbm>> -> memref<64xf32, #tpu.memory_space<hbm>>
        %dma_start3A_6 = arith.constant 999936 : i32
        %dma_start3A_7 = tpu.memref_slice %arg3[%dma_start3A_6] : memref<1000000xf32, #tpu.memory_space<hbm>> -> memref<64xf32, #tpu.memory_space<hbm>>
        tpu.enqueue_dma source(%dma_start3A_7 : memref<64xf32, #tpu.memory_space<hbm>>) target(%arg8 : memref<64xf32, #tpu.memory_space<vmem>>) target_semaphore(%run_scoped3A : memref<!tpu.dma_semaphore, #tpu.memory_space<semaphore_mem>>)
        %dma_wait3A = arith.constant 999936 : i32
        %dma_wait3A_8 = tpu.memref_slice %arg3[%dma_wait3A] : memref<1000000xf32, #tpu.memory_space<hbm>> -> memref<64xf32, #tpu.memory_space<hbm>>
        %dma_wait3A_9 = arith.constant 999936 : i32
        %dma_wait3A_10 = tpu.memref_slice %arg3[%dma_wait3A_9] : memref<1000000xf32, #tpu.memory_space<hbm>> -> memref<64xf32, #tpu.memory_space<hbm>>
        tpu.wait_dma2 semaphore(%run_scoped3A : memref<!tpu.dma_semaphore, #tpu.memory_space<semaphore_mem>>) src(%dma_wait3A_10 : memref<64xf32, #tpu.memory_space<hbm>>) dst(%arg8 : memref<64xf32, #tpu.memory_space<vmem>>)
        tpu.yield
      }) : () -> ()
      "tpu.region"() ({
        %run_scoped3A = tpu.sem_alloc : memref<!tpu.dma_semaphore, #tpu.memory_space<semaphore_mem>>
        %dma_start3A = arith.constant 999936 : i32
        %dma_start3A_5 = tpu.memref_slice %arg5[%dma_start3A] : memref<1000000xf32, #tpu.memory_space<hbm>> -> memref<64xf32, #tpu.memory_space<hbm>>
        %dma_start3A_6 = arith.constant 999936 : i32
        %dma_start3A_7 = tpu.memref_slice %arg5[%dma_start3A_6] : memref<1000000xf32, #tpu.memory_space<hbm>> -> memref<64xf32, #tpu.memory_space<hbm>>
        tpu.enqueue_dma source(%arg8 : memref<64xf32, #tpu.memory_space<vmem>>) target(%dma_start3A_7 : memref<64xf32, #tpu.memory_space<hbm>>) target_semaphore(%run_scoped3A : memref<!tpu.dma_semaphore, #tpu.memory_space<semaphore_mem>>)
        %dma_wait3A = arith.constant 999936 : i32
        %dma_wait3A_8 = tpu.memref_slice %arg5[%dma_wait3A] : memref<1000000xf32, #tpu.memory_space<hbm>> -> memref<64xf32, #tpu.memory_space<hbm>>
        %dma_wait3A_9 = arith.constant 999936 : i32
        %dma_wait3A_10 = tpu.memref_slice %arg5[%dma_wait3A_9] : memref<1000000xf32, #tpu.memory_space<hbm>> -> memref<64xf32, #tpu.memory_space<hbm>>
        tpu.wait_dma2 semaphore(%run_scoped3A : memref<!tpu.dma_semaphore, #tpu.memory_space<semaphore_mem>>) src(%arg8 : memref<64xf32, #tpu.memory_space<vmem>>) dst(%dma_wait3A_10 : memref<64xf32, #tpu.memory_space<hbm>>)
        tpu.yield
      }) : () -> ()
    } else {
    }
    return
  }
}

module attributes {stable_mosaic.version = 14 : i64} {
  func.func @_main_body(%arg0: i32, %arg1: memref<3xf32, #tpu.memory_space<smem>>, %arg2: memref<524288xf32, #tpu.memory_space<vmem>>, %arg3: memref<524288xf32, #tpu.memory_space<vmem>>, %arg4: memref<524288xf32, #tpu.memory_space<vmem>>, %arg5: memref<524288xf32, #tpu.memory_space<vmem>>, %arg6: memref<1xi32, #tpu.memory_space<smem>>, %arg7: memref<1xf32, #tpu.memory_space<smem>>, %arg8: memref<1xf32, #tpu.memory_space<smem>>, %arg9: memref<1xi32, #tpu.memory_space<smem>>) attributes {dimension_semantics = [#tpu.dimension_semantics<arbitrary>], iteration_bounds = array<i64: 4>, scalar_prefetch = 0 : i64, scratch_operands = 3 : i64, tpu.core_type = #tpu.core_type<tc>, window_params = [{transform_indices = @transform_0, window_bounds = array<i64: 3>}, {transform_indices = @transform_1, window_bounds = array<i64: 524288>}, {transform_indices = @transform_2, window_bounds = array<i64: 524288>}, {transform_indices = @transform_3, window_bounds = array<i64: 524288>}, {transform_indices = @transform_4, window_bounds = array<i64: 524288>}, {transform_indices = @transform_5, window_bounds = array<i64: 1>}]} {
    %eq3A = arith.constant 0 : i32
    %eq3A_0 = arith.cmpi eq, %arg0, %eq3A : i32
    %convert_element_type3A = arith.extui %eq3A_0 : i1 to i32
    %cond3A = arith.constant 0 : i32
    %cond3A_1 = arith.cmpi ne, %convert_element_type3A, %cond3A : i32
    scf.if %cond3A_1 {
      %swap3A = arith.constant 0xFF800000 : f32
      %swap3A_15 = arith.constant 0 : index
      %swap3A_16 = memref.load %arg7[%swap3A_15] : memref<1xf32, #tpu.memory_space<smem>>
      memref.store %swap3A, %arg7[%swap3A_15] : memref<1xf32, #tpu.memory_space<smem>>
    } else {
    }
    %lt3A = arith.constant 1 : i32
    %lt3A_2 = arith.cmpi slt, %arg0, %lt3A : i32
    %convert_element_type3A_3 = arith.extui %lt3A_2 : i1 to i32
    %cond3A_4 = arith.constant 0 : i32
    %cond3A_5 = arith.cmpi ne, %convert_element_type3A_3, %cond3A_4 : i32
    scf.if %cond3A_5 {
      %get3A = arith.constant 0 : index
      %get3A_15 = memref.load %arg7[%get3A] : memref<1xf32, #tpu.memory_space<smem>>
      %get3A_16 = arith.constant 0 : index
      %get3A_17 = vector.load %arg3[%get3A_16] : memref<524288xf32, #tpu.memory_space<vmem>>, vector<524288xf32>
      %reduce_max3A = vector.shape_cast %get3A_17 : vector<524288xf32> to vector<1x524288xf32>
      %reduce_max3A_18 = arith.constant dense<0xFF800000> : vector<1xf32>
      %reduce_max3A_19 = vector.multi_reduction <maximumf>, %reduce_max3A, %reduce_max3A_18 [1] : vector<1x524288xf32> to vector<1xf32>
      %reduce_max3A_20 = vector.shape_cast %reduce_max3A_19 : vector<1xf32> to vector<1x1xf32>
      %reduce_max3A_21 = vector.extract %reduce_max3A_20[0, 0] : f32 from vector<1x1xf32>
      %max3A = arith.maximumf %get3A_15, %reduce_max3A_21 : f32
      %swap3A = arith.constant 0 : index
      %swap3A_22 = memref.load %arg7[%swap3A] : memref<1xf32, #tpu.memory_space<smem>>
      memref.store %max3A, %arg7[%swap3A] : memref<1xf32, #tpu.memory_space<smem>>
    } else {
    }
    %eq3A_6 = arith.constant 1 : i32
    %eq3A_7 = arith.cmpi eq, %arg0, %eq3A_6 : i32
    %convert_element_type3A_8 = arith.extui %eq3A_7 : i1 to i32
    %cond3A_9 = arith.constant 0 : i32
    %cond3A_10 = arith.cmpi ne, %convert_element_type3A_8, %cond3A_9 : i32
    scf.if %cond3A_10 {
      %get3A = arith.constant 0 : index
      %get3A_15 = vector.load %arg3[%get3A] : memref<524288xf32, #tpu.memory_space<vmem>>, vector<524288xf32>
      %reshape3A = vector.shape_cast %get3A_15 : vector<524288xf32> to vector<4096x128xf32>
      %iota3A = tpu.iota {dimensions = array<i32: 0>} : vector<4096x128xi32>
      %iota3A_16 = tpu.iota {dimensions = array<i32: 1>} : vector<4096x128xi32>
      %mul3A = arith.constant 128 : i32
      %mul3A_17 = vector.broadcast %mul3A : i32 to vector<4096x128xi32>
      %mul3A_18 = arith.muli %iota3A, %mul3A_17 : vector<4096x128xi32>
      %add3A = arith.addi %mul3A_18, %iota3A_16 : vector<4096x128xi32>
      %lt3A_19 = arith.constant 475712 : i32
      %lt3A_20 = vector.broadcast %lt3A_19 : i32 to vector<4096x128xi32>
      %lt3A_21 = arith.cmpi slt, %add3A, %lt3A_20 : vector<4096x128xi32>
      %jit3A = arith.constant 0xFF800000 : f32
      %broadcast_in_dim3A = vector.broadcast %jit3A : f32 to vector<4096x128xf32>
      %select_n3A = arith.select %lt3A_21, %reshape3A, %broadcast_in_dim3A : vector<4096x128xi1>, vector<4096x128xf32>
      %reduce_max3A = vector.shape_cast %select_n3A : vector<4096x128xf32> to vector<1x4096x128xf32>
      %reduce_max3A_22 = arith.constant dense<0xFF800000> : vector<1xf32>
      %reduce_max3A_23 = vector.multi_reduction <maximumf>, %reduce_max3A, %reduce_max3A_22 [1, 2] : vector<1x4096x128xf32> to vector<1xf32>
      %reduce_max3A_24 = vector.shape_cast %reduce_max3A_23 : vector<1xf32> to vector<1x1x1xf32>
      %reduce_max3A_25 = vector.extract %reduce_max3A_24[0, 0, 0] : f32 from vector<1x1x1xf32>
      %get3A_26 = arith.constant 0 : index
      %get3A_27 = memref.load %arg7[%get3A_26] : memref<1xf32, #tpu.memory_space<smem>>
      %max3A = arith.maximumf %get3A_27, %reduce_max3A_25 : f32
      %swap3A = arith.constant 0 : index
      %swap3A_28 = memref.load %arg7[%swap3A] : memref<1xf32, #tpu.memory_space<smem>>
      memref.store %max3A, %arg7[%swap3A] : memref<1xf32, #tpu.memory_space<smem>>
      %swap3A_29 = arith.constant 0xFF800000 : f32
      %swap3A_30 = arith.constant 0 : index
      %swap3A_31 = memref.load %arg8[%swap3A_30] : memref<1xf32, #tpu.memory_space<smem>>
      memref.store %swap3A_29, %arg8[%swap3A_30] : memref<1xf32, #tpu.memory_space<smem>>
      %swap3A_32 = arith.constant 0 : i32
      %swap3A_33 = arith.constant 0 : index
      %swap3A_34 = memref.load %arg9[%swap3A_33] : memref<1xi32, #tpu.memory_space<smem>>
      memref.store %swap3A_32, %arg9[%swap3A_33] : memref<1xi32, #tpu.memory_space<smem>>
    } else {
    }
    %ge3A = arith.constant 2 : i32
    %ge3A_11 = arith.cmpi sge, %arg0, %ge3A : i32
    %convert_element_type3A_12 = arith.extui %ge3A_11 : i1 to i32
    %cond3A_13 = arith.constant 0 : i32
    %cond3A_14 = arith.cmpi ne, %convert_element_type3A_12, %cond3A_13 : i32
    scf.if %cond3A_14 {
      %get3A = arith.constant 0 : index
      %get3A_15 = memref.load %arg7[%get3A] : memref<1xf32, #tpu.memory_space<smem>>
      %add3A = arith.constant 9.99999997E-7 : f32
      %add3A_16 = arith.addf %get3A_15, %add3A : f32
      %get3A_17 = arith.constant 0 : index
      %get3A_18 = memref.load %arg1[%get3A_17] : memref<3xf32, #tpu.memory_space<smem>>
      %get3A_19 = arith.constant 1 : index
      %get3A_20 = memref.load %arg1[%get3A_19] : memref<3xf32, #tpu.memory_space<smem>>
      %get3A_21 = arith.constant 0 : index
      %get3A_22 = vector.load %arg2[%get3A_21] : memref<524288xf32, #tpu.memory_space<vmem>>, vector<524288xf32>
      %reshape3A = vector.shape_cast %get3A_22 : vector<524288xf32> to vector<4096x128xf32>
      %get3A_23 = arith.constant 0 : index
      %get3A_24 = vector.load %arg3[%get3A_23] : memref<524288xf32, #tpu.memory_space<vmem>>, vector<524288xf32>
      %reshape3A_25 = vector.shape_cast %get3A_24 : vector<524288xf32> to vector<4096x128xf32>
      %get3A_26 = arith.constant 0 : index
      %get3A_27 = vector.load %arg4[%get3A_26] : memref<524288xf32, #tpu.memory_space<vmem>>, vector<524288xf32>
      %reshape3A_28 = vector.shape_cast %get3A_27 : vector<524288xf32> to vector<4096x128xf32>
      %mul3A = arith.constant 0.899999976 : f32
      %mul3A_29 = vector.broadcast %mul3A : f32 to vector<4096x128xf32>
      %mul3A_30 = arith.mulf %mul3A_29, %reshape3A : vector<4096x128xf32>
      %div3A = vector.broadcast %add3A_16 : f32 to vector<4096x128xf32>
      %div3A_31 = arith.divf %reshape3A_25, %div3A : vector<4096x128xf32>
      %sub3A = arith.constant 1.000000e+00 : f32
      %sub3A_32 = vector.broadcast %sub3A : f32 to vector<4096x128xf32>
      %sub3A_33 = arith.subf %sub3A_32, %div3A_31 : vector<4096x128xf32>
      %add3A_34 = arith.addf %mul3A_30, %sub3A_33 : vector<4096x128xf32>
      %add3A_35 = arith.constant 1.000000e-01 : f32
      %add3A_36 = vector.broadcast %add3A_35 : f32 to vector<4096x128xf32>
      %add3A_37 = arith.addf %reshape3A_25, %add3A_36 : vector<4096x128xf32>
      %div3A_38 = arith.constant 1.000000e+00 : f32
      %div3A_39 = vector.broadcast %div3A_38 : f32 to vector<4096x128xf32>
      %div3A_40 = arith.divf %div3A_39, %add3A_37 : vector<4096x128xf32>
      %mul3A_41 = vector.broadcast %get3A_18 : f32 to vector<4096x128xf32>
      %mul3A_42 = arith.mulf %mul3A_41, %div3A_40 : vector<4096x128xf32>
      %add3A_43 = arith.addf %add3A_34, %mul3A_42 : vector<4096x128xf32>
      %sub3A_44 = vector.broadcast %get3A_20 : f32 to vector<4096x128xf32>
      %sub3A_45 = arith.subf %sub3A_44, %reshape3A_28 : vector<4096x128xf32>
      %log1p3A = math.log1p %sub3A_45 : vector<4096x128xf32>
      %mul3A_46 = arith.constant 1.000000e-01 : f32
      %mul3A_47 = vector.broadcast %mul3A_46 : f32 to vector<4096x128xf32>
      %mul3A_48 = arith.mulf %mul3A_47, %log1p3A : vector<4096x128xf32>
      %add3A_49 = arith.addf %add3A_43, %mul3A_48 : vector<4096x128xf32>
      %reshape3A_50 = vector.shape_cast %add3A_49 : vector<4096x128xf32> to vector<524288xf32>
      %swap3A = arith.constant 0 : index
      %swap3A_51 = vector.load %arg5[%swap3A] : memref<524288xf32, #tpu.memory_space<vmem>>, vector<524288xf32>
      tpu.vector_store %arg5[%swap3A], %reshape3A_50 {strides = array<i32>} : memref<524288xf32, #tpu.memory_space<vmem>>, vector<524288xf32>,
      %iota3A = tpu.iota {dimensions = array<i32: 0>} : vector<4096x128xi32>
      %iota3A_52 = tpu.iota {dimensions = array<i32: 1>} : vector<4096x128xi32>
      %mul3A_53 = arith.constant 128 : i32
      %mul3A_54 = vector.broadcast %mul3A_53 : i32 to vector<4096x128xi32>
      %mul3A_55 = arith.muli %iota3A, %mul3A_54 : vector<4096x128xi32>
      %add3A_56 = arith.addi %mul3A_55, %iota3A_52 : vector<4096x128xi32>
      %lt3A_57 = arith.constant 3 : i32
      %lt3A_58 = arith.cmpi slt, %arg0, %lt3A_57 : i32
      %convert_element_type3A_59 = arith.extui %lt3A_58 : i1 to i32
      %cond3A_60 = arith.constant 0 : i32
      %cond3A_61 = arith.cmpi ne, %convert_element_type3A_59, %cond3A_60 : i32
      scf.if %cond3A_61 {
        %reduce_max3A = vector.shape_cast %add3A_49 : vector<4096x128xf32> to vector<1x4096x128xf32>
        %reduce_max3A_67 = arith.constant dense<0xFF800000> : vector<1xf32>
        %reduce_max3A_68 = vector.multi_reduction <maximumf>, %reduce_max3A, %reduce_max3A_67 [1, 2] : vector<1x4096x128xf32> to vector<1xf32>
        %reduce_max3A_69 = vector.shape_cast %reduce_max3A_68 : vector<1xf32> to vector<1x1x1xf32>
        %reduce_max3A_70 = vector.extract %reduce_max3A_69[0, 0, 0] : f32 from vector<1x1x1xf32>
        %eq3A_71 = vector.broadcast %reduce_max3A_70 : f32 to vector<4096x128xf32>
        %eq3A_72 = arith.cmpf oeq, %add3A_49, %eq3A_71 : vector<4096x128xf32>
        %jit3A = arith.constant 1000000 : i32
        %broadcast_in_dim3A = vector.broadcast %jit3A : i32 to vector<4096x128xi32>
        %select_n3A = arith.select %eq3A_72, %add3A_56, %broadcast_in_dim3A : vector<4096x128xi1>, vector<4096x128xi32>
        %reduce_min3A = vector.shape_cast %select_n3A : vector<4096x128xi32> to vector<1x4096x128xi32>
        %reduce_min3A_73 = arith.constant dense<2147483647> : vector<1xi32>
        %reduce_min3A_74 = vector.multi_reduction <minsi>, %reduce_min3A, %reduce_min3A_73 [1, 2] : vector<1x4096x128xi32> to vector<1xi32>
        %reduce_min3A_75 = vector.shape_cast %reduce_min3A_74 : vector<1xi32> to vector<1x1x1xi32>
        %reduce_min3A_76 = vector.extract %reduce_min3A_75[0, 0, 0] : i32 from vector<1x1x1xi32>
        %get3A_77 = arith.constant 0 : index
        %get3A_78 = memref.load %arg8[%get3A_77] : memref<1xf32, #tpu.memory_space<smem>>
        %gt3A = arith.cmpf ogt, %reduce_max3A_70, %get3A_78 : f32
        %sub3A_79 = arith.constant 2 : i32
        %sub3A_80 = arith.subi %arg0, %sub3A_79 : i32
        %mul3A_81 = arith.constant 524288 : i32
        %mul3A_82 = arith.muli %sub3A_80, %mul3A_81 : i32
        %add3A_83 = arith.addi %mul3A_82, %reduce_min3A_76 : i32
        %get3A_84 = arith.constant 0 : index
        %get3A_85 = memref.load %arg9[%get3A_84] : memref<1xi32, #tpu.memory_space<smem>>
        %select_n3A_86 = arith.select %gt3A, %add3A_83, %get3A_85 : i32
        %swap3A_87 = arith.constant 0 : index
        %swap3A_88 = memref.load %arg9[%swap3A_87] : memref<1xi32, #tpu.memory_space<smem>>
        memref.store %select_n3A_86, %arg9[%swap3A_87] : memref<1xi32, #tpu.memory_space<smem>>
        %get3A_89 = arith.constant 0 : index
        %get3A_90 = memref.load %arg8[%get3A_89] : memref<1xf32, #tpu.memory_space<smem>>
        %select_n3A_91 = arith.select %gt3A, %reduce_max3A_70, %get3A_90 : f32
        %swap3A_92 = arith.constant 0 : index
        %swap3A_93 = memref.load %arg8[%swap3A_92] : memref<1xf32, #tpu.memory_space<smem>>
        memref.store %select_n3A_91, %arg8[%swap3A_92] : memref<1xf32, #tpu.memory_space<smem>>
      } else {
      }
      %eq3A_62 = arith.constant 3 : i32
      %eq3A_63 = arith.cmpi eq, %arg0, %eq3A_62 : i32
      %convert_element_type3A_64 = arith.extui %eq3A_63 : i1 to i32
      %cond3A_65 = arith.constant 0 : i32
      %cond3A_66 = arith.cmpi ne, %convert_element_type3A_64, %cond3A_65 : i32
      scf.if %cond3A_66 {
        %lt3A_67 = arith.constant 475712 : i32
        %lt3A_68 = vector.broadcast %lt3A_67 : i32 to vector<4096x128xi32>
        %lt3A_69 = arith.cmpi slt, %add3A_56, %lt3A_68 : vector<4096x128xi32>
        %jit3A = arith.constant 0xFF800000 : f32
        %broadcast_in_dim3A = vector.broadcast %jit3A : f32 to vector<4096x128xf32>
        %select_n3A = arith.select %lt3A_69, %add3A_49, %broadcast_in_dim3A : vector<4096x128xi1>, vector<4096x128xf32>
        %reduce_max3A = vector.shape_cast %select_n3A : vector<4096x128xf32> to vector<1x4096x128xf32>
        %reduce_max3A_70 = arith.constant dense<0xFF800000> : vector<1xf32>
        %reduce_max3A_71 = vector.multi_reduction <maximumf>, %reduce_max3A, %reduce_max3A_70 [1, 2] : vector<1x4096x128xf32> to vector<1xf32>
        %reduce_max3A_72 = vector.shape_cast %reduce_max3A_71 : vector<1xf32> to vector<1x1x1xf32>
        %reduce_max3A_73 = vector.extract %reduce_max3A_72[0, 0, 0] : f32 from vector<1x1x1xf32>
        %eq3A_74 = vector.broadcast %reduce_max3A_73 : f32 to vector<4096x128xf32>
        %eq3A_75 = arith.cmpf oeq, %select_n3A, %eq3A_74 : vector<4096x128xf32>
        %jit3A_76 = arith.constant 1000000 : i32
        %broadcast_in_dim3A_77 = vector.broadcast %jit3A_76 : i32 to vector<4096x128xi32>
        %select_n3A_78 = arith.select %eq3A_75, %add3A_56, %broadcast_in_dim3A_77 : vector<4096x128xi1>, vector<4096x128xi32>
        %reduce_min3A = vector.shape_cast %select_n3A_78 : vector<4096x128xi32> to vector<1x4096x128xi32>
        %reduce_min3A_79 = arith.constant dense<2147483647> : vector<1xi32>
        %reduce_min3A_80 = vector.multi_reduction <minsi>, %reduce_min3A, %reduce_min3A_79 [1, 2] : vector<1x4096x128xi32> to vector<1xi32>
        %reduce_min3A_81 = vector.shape_cast %reduce_min3A_80 : vector<1xi32> to vector<1x1x1xi32>
        %reduce_min3A_82 = vector.extract %reduce_min3A_81[0, 0, 0] : i32 from vector<1x1x1xi32>
        %get3A_83 = arith.constant 0 : index
        %get3A_84 = memref.load %arg8[%get3A_83] : memref<1xf32, #tpu.memory_space<smem>>
        %gt3A = arith.cmpf ogt, %reduce_max3A_73, %get3A_84 : f32
        %sub3A_85 = arith.constant 2 : i32
        %sub3A_86 = arith.subi %arg0, %sub3A_85 : i32
        %mul3A_87 = arith.constant 524288 : i32
        %mul3A_88 = arith.muli %sub3A_86, %mul3A_87 : i32
        %add3A_89 = arith.addi %mul3A_88, %reduce_min3A_82 : i32
        %get3A_90 = arith.constant 0 : index
        %get3A_91 = memref.load %arg9[%get3A_90] : memref<1xi32, #tpu.memory_space<smem>>
        %select_n3A_92 = arith.select %gt3A, %add3A_89, %get3A_91 : i32
        %swap3A_93 = arith.constant 0 : index
        %swap3A_94 = memref.load %arg6[%swap3A_93] : memref<1xi32, #tpu.memory_space<smem>>
        memref.store %select_n3A_92, %arg6[%swap3A_93] : memref<1xi32, #tpu.memory_space<smem>>
      } else {
      }
    } else {
    }
    return
  }
  func.func @transform_0(%arg0: i32) -> i32 {
    %c0_i32 = arith.constant 0 : i32
    %c0_i32_0 = arith.constant 0 : i32
    return %c0_i32 : i32
  }
  func.func @transform_1(%arg0: i32) -> i32 {
    %sub3A = arith.constant 2 : i32
    %sub3A_0 = arith.subi %arg0, %sub3A : i32
    %max3A = arith.constant 0 : i32
    %max3A_1 = arith.maxsi %sub3A_0, %max3A : i32
    %c0_i32 = arith.constant 0 : i32
    return %max3A_1 : i32
  }
  func.func @transform_2(%arg0: i32) -> i32 {
    %lt3A = arith.constant 2 : i32
    %lt3A_0 = arith.cmpi slt, %arg0, %lt3A : i32
    %sub3A = arith.constant 2 : i32
    %sub3A_1 = arith.subi %arg0, %sub3A : i32
    %select_n3A = arith.select %lt3A_0, %arg0, %sub3A_1 : i32
    %c0_i32 = arith.constant 0 : i32
    return %select_n3A : i32
  }
  func.func @transform_3(%arg0: i32) -> i32 {
    %sub3A = arith.constant 2 : i32
    %sub3A_0 = arith.subi %arg0, %sub3A : i32
    %max3A = arith.constant 0 : i32
    %max3A_1 = arith.maxsi %sub3A_0, %max3A : i32
    %c0_i32 = arith.constant 0 : i32
    return %max3A_1 : i32
  }
  func.func @transform_4(%arg0: i32) -> i32 {
    %sub3A = arith.constant 2 : i32
    %sub3A_0 = arith.subi %arg0, %sub3A : i32
    %max3A = arith.constant 0 : i32
    %max3A_1 = arith.maxsi %sub3A_0, %max3A : i32
    %c0_i32 = arith.constant 0 : i32
    return %max3A_1 : i32
  }
  func.func @transform_5(%arg0: i32) -> i32 {
    %c0_i32 = arith.constant 0 : i32
    %c0_i32_0 = arith.constant 0 : i32
    return %c0_i32 : i32
  }
}

module attributes {stable_mosaic.version = 14 : i64} {
  func.func @_fix_body(%arg0: i32, %arg1: memref<1xi32, #tpu.memory_space<smem>>, %arg2: memref<3xf32, #tpu.memory_space<smem>>, %arg3: memref<1024xf32, #tpu.memory_space<vmem>>, %arg4: memref<1024xf32, #tpu.memory_space<vmem>>, %arg5: memref<1024xf32, #tpu.memory_space<vmem>>, %arg6: memref<1024xf32, #tpu.memory_space<vmem>>, %arg7: memref<1024xf32, #tpu.memory_space<vmem>>, %arg8: memref<1024xf32, #tpu.memory_space<vmem>>) attributes {dimension_semantics = [#tpu.dimension_semantics<arbitrary>], iteration_bounds = array<i64: 1>, scalar_prefetch = 1 : i64, scratch_operands = 0 : i64, tpu.core_type = #tpu.core_type<tc>, window_params = [{transform_indices = @transform_0, window_bounds = array<i64: 3>}, {transform_indices = @transform_1, window_bounds = array<i64: 1024>}, {transform_indices = @transform_2, window_bounds = array<i64: 1024>}, {transform_indices = @transform_3, window_bounds = array<i64: 1024>}, {transform_indices = @transform_4, window_bounds = array<i64: 1024>}, {transform_indices = @transform_5, window_bounds = array<i64: 1024>}, {transform_indices = @transform_6, window_bounds = array<i64: 1024>}]} {
    %get3A = arith.constant 0 : index
    %get3A_0 = memref.load %arg1[%get3A] : memref<1xi32, #tpu.memory_space<smem>>
    %jit3A = arith.constant 1024 : i32
    %eq3A = arith.constant 0 : i32
    %eq3A_1 = arith.cmpi eq, %jit3A, %eq3A : i32
    %jit3A_2 = arith.constant 1 : i32
    %select_n3A = arith.select %eq3A_1, %jit3A_2, %jit3A : i32
    %rem3A = arith.remsi %get3A_0, %select_n3A : i32
    %ne3A = arith.constant 0 : i32
    %ne3A_3 = arith.cmpi ne, %rem3A, %ne3A : i32
    %lt3A = arith.constant 0 : i32
    %lt3A_4 = arith.cmpi slt, %rem3A, %lt3A : i32
    %lt3A_5 = arith.constant 0 : i32
    %lt3A_6 = arith.cmpi slt, %select_n3A, %lt3A_5 : i32
    %ne3A_7 = arith.xori %lt3A_4, %lt3A_6 : i1
    %and3A = arith.andi %ne3A_7, %ne3A_3 : i1
    %add3A = arith.addi %rem3A, %select_n3A : i32
    %select_n3A_8 = arith.select %and3A, %add3A, %rem3A : i32
    %get3A_9 = arith.constant 2 : index
    %get3A_10 = memref.load %arg2[%get3A_9] : memref<3xf32, #tpu.memory_space<smem>>
    %get3A_11 = arith.constant 1 : index
    %get3A_12 = memref.load %arg2[%get3A_11] : memref<3xf32, #tpu.memory_space<smem>>
    %iota3A = tpu.iota {dimensions = array<i32: 0>} : vector<8x128xi32>
    %iota3A_13 = tpu.iota {dimensions = array<i32: 1>} : vector<8x128xi32>
    %mul3A = arith.constant 128 : i32
    %mul3A_14 = vector.broadcast %mul3A : i32 to vector<8x128xi32>
    %mul3A_15 = arith.muli %iota3A, %mul3A_14 : vector<8x128xi32>
    %add3A_16 = arith.addi %mul3A_15, %iota3A_13 : vector<8x128xi32>
    %eq3A_17 = vector.broadcast %select_n3A_8 : i32 to vector<8x128xi32>
    %eq3A_18 = arith.cmpi eq, %add3A_16, %eq3A_17 : vector<8x128xi32>
    %get3A_19 = arith.constant 0 : index
    %get3A_20 = vector.load %arg3[%get3A_19] : memref<1024xf32, #tpu.memory_space<vmem>>, vector<1024xf32>
    %reshape3A = vector.shape_cast %get3A_20 : vector<1024xf32> to vector<8x128xf32>
    %get3A_21 = arith.constant 0 : index
    %get3A_22 = vector.load %arg4[%get3A_21] : memref<1024xf32, #tpu.memory_space<vmem>>, vector<1024xf32>
    %reshape3A_23 = vector.shape_cast %get3A_22 : vector<1024xf32> to vector<8x128xf32>
    %get3A_24 = arith.constant 0 : index
    %get3A_25 = vector.load %arg5[%get3A_24] : memref<1024xf32, #tpu.memory_space<vmem>>, vector<1024xf32>
    %reshape3A_26 = vector.shape_cast %get3A_25 : vector<1024xf32> to vector<8x128xf32>
    %jit3A_27 = arith.constant 0.000000e+00 : f32
    %broadcast_in_dim3A = vector.broadcast %jit3A_27 : f32 to vector<8x128xf32>
    %select_n3A_28 = arith.select %eq3A_18, %broadcast_in_dim3A, %reshape3A : vector<8x128xi1>, vector<8x128xf32>
    %reshape3A_29 = vector.shape_cast %select_n3A_28 : vector<8x128xf32> to vector<1024xf32>
    %swap3A = arith.constant 0 : index
    %swap3A_30 = vector.load %arg6[%swap3A] : memref<1024xf32, #tpu.memory_space<vmem>>, vector<1024xf32>
    tpu.vector_store %arg6[%swap3A], %reshape3A_29 {strides = array<i32>} : memref<1024xf32, #tpu.memory_space<vmem>>, vector<1024xf32>,
    %add3A_31 = vector.broadcast %get3A_10 : f32 to vector<8x128xf32>
    %add3A_32 = arith.addf %reshape3A_23, %add3A_31 : vector<8x128xf32>
    %select_n3A_33 = arith.select %eq3A_18, %add3A_32, %reshape3A_23 : vector<8x128xi1>, vector<8x128xf32>
    %reshape3A_34 = vector.shape_cast %select_n3A_33 : vector<8x128xf32> to vector<1024xf32>
    %swap3A_35 = arith.constant 0 : index
    %swap3A_36 = vector.load %arg7[%swap3A_35] : memref<1024xf32, #tpu.memory_space<vmem>>, vector<1024xf32>
    tpu.vector_store %arg7[%swap3A_35], %reshape3A_34 {strides = array<i32>} : memref<1024xf32, #tpu.memory_space<vmem>>, vector<1024xf32>,
    %broadcast_in_dim3A_37 = vector.broadcast %get3A_12 : f32 to vector<8x128xf32>
    %select_n3A_38 = arith.select %eq3A_18, %broadcast_in_dim3A_37, %reshape3A_26 : vector<8x128xi1>, vector<8x128xf32>
    %reshape3A_39 = vector.shape_cast %select_n3A_38 : vector<8x128xf32> to vector<1024xf32>
    %swap3A_40 = arith.constant 0 : index
    %swap3A_41 = vector.load %arg8[%swap3A_40] : memref<1024xf32, #tpu.memory_space<vmem>>, vector<1024xf32>
    tpu.vector_store %arg8[%swap3A_40], %reshape3A_39 {strides = array<i32>} : memref<1024xf32, #tpu.memory_space<vmem>>, vector<1024xf32>,
    return
  }
  func.func @transform_0(%arg0: i32, %arg1: memref<1xi32, #tpu.memory_space<smem>>) -> i32 {
    %c0_i32 = arith.constant 0 : i32
    %c0_i32_0 = arith.constant 0 : i32
    return %c0_i32 : i32
  }
  func.func @transform_1(%arg0: i32, %arg1: memref<1xi32, #tpu.memory_space<smem>>) -> i32 {
    %get3A = arith.constant 0 : index
    %get3A_0 = memref.load %arg1[%get3A] : memref<1xi32, #tpu.memory_space<smem>>
    %jit3A = arith.constant 1024 : i32
    %div3A = arith.divsi %get3A_0, %jit3A : i32
    %sign3A = arith.constant 0 : i32
    %sign3A_1 = arith.cmpi sgt, %get3A_0, %sign3A : i32
    %sign3A_2 = arith.extui %sign3A_1 : i1 to i32
    %sign3A_3 = arith.constant 0 : i32
    %sign3A_4 = arith.cmpi slt, %get3A_0, %sign3A_3 : i32
    %sign3A_5 = arith.extui %sign3A_4 : i1 to i32
    %sign3A_6 = arith.subi %sign3A_2, %sign3A_5 : i32
    %sign3A_7 = arith.constant 0 : i32
    %sign3A_8 = arith.cmpi sgt, %jit3A, %sign3A_7 : i32
    %sign3A_9 = arith.extui %sign3A_8 : i1 to i32
    %sign3A_10 = arith.constant 0 : i32
    %sign3A_11 = arith.cmpi slt, %jit3A, %sign3A_10 : i32
    %sign3A_12 = arith.extui %sign3A_11 : i1 to i32
    %sign3A_13 = arith.subi %sign3A_9, %sign3A_12 : i32
    %ne3A = arith.cmpi ne, %sign3A_6, %sign3A_13 : i32
    %rem3A = arith.remsi %get3A_0, %jit3A : i32
    %ne3A_14 = arith.constant 0 : i32
    %ne3A_15 = arith.cmpi ne, %rem3A, %ne3A_14 : i32
    %and3A = arith.andi %ne3A, %ne3A_15 : i1
    %sub3A = arith.constant 1 : i32
    %sub3A_16 = arith.subi %div3A, %sub3A : i32
    %select_n3A = arith.select %and3A, %sub3A_16, %div3A : i32
    %c0_i32 = arith.constant 0 : i32
    return %select_n3A : i32
  }
  func.func @transform_2(%arg0: i32, %arg1: memref<1xi32, #tpu.memory_space<smem>>) -> i32 {
    %get3A = arith.constant 0 : index
    %get3A_0 = memref.load %arg1[%get3A] : memref<1xi32, #tpu.memory_space<smem>>
    %jit3A = arith.constant 1024 : i32
    %div3A = arith.divsi %get3A_0, %jit3A : i32
    %sign3A = arith.constant 0 : i32
    %sign3A_1 = arith.cmpi sgt, %get3A_0, %sign3A : i32
    %sign3A_2 = arith.extui %sign3A_1 : i1 to i32
    %sign3A_3 = arith.constant 0 : i32
    %sign3A_4 = arith.cmpi slt, %get3A_0, %sign3A_3 : i32
    %sign3A_5 = arith.extui %sign3A_4 : i1 to i32
    %sign3A_6 = arith.subi %sign3A_2, %sign3A_5 : i32
    %sign3A_7 = arith.constant 0 : i32
    %sign3A_8 = arith.cmpi sgt, %jit3A, %sign3A_7 : i32
    %sign3A_9 = arith.extui %sign3A_8 : i1 to i32
    %sign3A_10 = arith.constant 0 : i32
    %sign3A_11 = arith.cmpi slt, %jit3A, %sign3A_10 : i32
    %sign3A_12 = arith.extui %sign3A_11 : i1 to i32
    %sign3A_13 = arith.subi %sign3A_9, %sign3A_12 : i32
    %ne3A = arith.cmpi ne, %sign3A_6, %sign3A_13 : i32
    %rem3A = arith.remsi %get3A_0, %jit3A : i32
    %ne3A_14 = arith.constant 0 : i32
    %ne3A_15 = arith.cmpi ne, %rem3A, %ne3A_14 : i32
    %and3A = arith.andi %ne3A, %ne3A_15 : i1
    %sub3A = arith.constant 1 : i32
    %sub3A_16 = arith.subi %div3A, %sub3A : i32
    %select_n3A = arith.select %and3A, %sub3A_16, %div3A : i32
    %c0_i32 = arith.constant 0 : i32
    return %select_n3A : i32
  }
  func.func @transform_3(%arg0: i32, %arg1: memref<1xi32, #tpu.memory_space<smem>>) -> i32 {
    %get3A = arith.constant 0 : index
    %get3A_0 = memref.load %arg1[%get3A] : memref<1xi32, #tpu.memory_space<smem>>
    %jit3A = arith.constant 1024 : i32
    %div3A = arith.divsi %get3A_0, %jit3A : i32
    %sign3A = arith.constant 0 : i32
    %sign3A_1 = arith.cmpi sgt, %get3A_0, %sign3A : i32
    %sign3A_2 = arith.extui %sign3A_1 : i1 to i32
    %sign3A_3 = arith.constant 0 : i32
    %sign3A_4 = arith.cmpi slt, %get3A_0, %sign3A_3 : i32
    %sign3A_5 = arith.extui %sign3A_4 : i1 to i32
    %sign3A_6 = arith.subi %sign3A_2, %sign3A_5 : i32
    %sign3A_7 = arith.constant 0 : i32
    %sign3A_8 = arith.cmpi sgt, %jit3A, %sign3A_7 : i32
    %sign3A_9 = arith.extui %sign3A_8 : i1 to i32
    %sign3A_10 = arith.constant 0 : i32
    %sign3A_11 = arith.cmpi slt, %jit3A, %sign3A_10 : i32
    %sign3A_12 = arith.extui %sign3A_11 : i1 to i32
    %sign3A_13 = arith.subi %sign3A_9, %sign3A_12 : i32
    %ne3A = arith.cmpi ne, %sign3A_6, %sign3A_13 : i32
    %rem3A = arith.remsi %get3A_0, %jit3A : i32
    %ne3A_14 = arith.constant 0 : i32
    %ne3A_15 = arith.cmpi ne, %rem3A, %ne3A_14 : i32
    %and3A = arith.andi %ne3A, %ne3A_15 : i1
    %sub3A = arith.constant 1 : i32
    %sub3A_16 = arith.subi %div3A, %sub3A : i32
    %select_n3A = arith.select %and3A, %sub3A_16, %div3A : i32
    %c0_i32 = arith.constant 0 : i32
    return %select_n3A : i32
  }
  func.func @transform_4(%arg0: i32, %arg1: memref<1xi32, #tpu.memory_space<smem>>) -> i32 {
    %get3A = arith.constant 0 : index
    %get3A_0 = memref.load %arg1[%get3A] : memref<1xi32, #tpu.memory_space<smem>>
    %jit3A = arith.constant 1024 : i32
    %div3A = arith.divsi %get3A_0, %jit3A : i32
    %sign3A = arith.constant 0 : i32
    %sign3A_1 = arith.cmpi sgt, %get3A_0, %sign3A : i32
    %sign3A_2 = arith.extui %sign3A_1 : i1 to i32
    %sign3A_3 = arith.constant 0 : i32
    %sign3A_4 = arith.cmpi slt, %get3A_0, %sign3A_3 : i32
    %sign3A_5 = arith.extui %sign3A_4 : i1 to i32
    %sign3A_6 = arith.subi %sign3A_2, %sign3A_5 : i32
    %sign3A_7 = arith.constant 0 : i32
    %sign3A_8 = arith.cmpi sgt, %jit3A, %sign3A_7 : i32
    %sign3A_9 = arith.extui %sign3A_8 : i1 to i32
    %sign3A_10 = arith.constant 0 : i32
    %sign3A_11 = arith.cmpi slt, %jit3A, %sign3A_10 : i32
    %sign3A_12 = arith.extui %sign3A_11 : i1 to i32
    %sign3A_13 = arith.subi %sign3A_9, %sign3A_12 : i32
    %ne3A = arith.cmpi ne, %sign3A_6, %sign3A_13 : i32
    %rem3A = arith.remsi %get3A_0, %jit3A : i32
    %ne3A_14 = arith.constant 0 : i32
    %ne3A_15 = arith.cmpi ne, %rem3A, %ne3A_14 : i32
    %and3A = arith.andi %ne3A, %ne3A_15 : i1
    %sub3A = arith.constant 1 : i32
    %sub3A_16 = arith.subi %div3A, %sub3A : i32
    %select_n3A = arith.select %and3A, %sub3A_16, %div3A : i32
    %c0_i32 = arith.constant 0 : i32
    return %select_n3A : i32
  }
  func.func @transform_5(%arg0: i32, %arg1: memref<1xi32, #tpu.memory_space<smem>>) -> i32 {
    %get3A = arith.constant 0 : index
    %get3A_0 = memref.load %arg1[%get3A] : memref<1xi32, #tpu.memory_space<smem>>
    %jit3A = arith.constant 1024 : i32
    %div3A = arith.divsi %get3A_0, %jit3A : i32
    %sign3A = arith.constant 0 : i32
    %sign3A_1 = arith.cmpi sgt, %get3A_0, %sign3A : i32
    %sign3A_2 = arith.extui %sign3A_1 : i1 to i32
    %sign3A_3 = arith.constant 0 : i32
    %sign3A_4 = arith.cmpi slt, %get3A_0, %sign3A_3 : i32
    %sign3A_5 = arith.extui %sign3A_4 : i1 to i32
    %sign3A_6 = arith.subi %sign3A_2, %sign3A_5 : i32
    %sign3A_7 = arith.constant 0 : i32
    %sign3A_8 = arith.cmpi sgt, %jit3A, %sign3A_7 : i32
    %sign3A_9 = arith.extui %sign3A_8 : i1 to i32
    %sign3A_10 = arith.constant 0 : i32
    %sign3A_11 = arith.cmpi slt, %jit3A, %sign3A_10 : i32
    %sign3A_12 = arith.extui %sign3A_11 : i1 to i32
    %sign3A_13 = arith.subi %sign3A_9, %sign3A_12 : i32
    %ne3A = arith.cmpi ne, %sign3A_6, %sign3A_13 : i32
    %rem3A = arith.remsi %get3A_0, %jit3A : i32
    %ne3A_14 = arith.constant 0 : i32
    %ne3A_15 = arith.cmpi ne, %rem3A, %ne3A_14 : i32
    %and3A = arith.andi %ne3A, %ne3A_15 : i1
    %sub3A = arith.constant 1 : i32
    %sub3A_16 = arith.subi %div3A, %sub3A : i32
    %select_n3A = arith.select %and3A, %sub3A_16, %div3A : i32
    %c0_i32 = arith.constant 0 : i32
    return %select_n3A : i32
  }
  func.func @transform_6(%arg0: i32, %arg1: memref<1xi32, #tpu.memory_space<smem>>) -> i32 {
    %get3A = arith.constant 0 : index
    %get3A_0 = memref.load %arg1[%get3A] : memref<1xi32, #tpu.memory_space<smem>>
    %jit3A = arith.constant 1024 : i32
    %div3A = arith.divsi %get3A_0, %jit3A : i32
    %sign3A = arith.constant 0 : i32
    %sign3A_1 = arith.cmpi sgt, %get3A_0, %sign3A : i32
    %sign3A_2 = arith.extui %sign3A_1 : i1 to i32
    %sign3A_3 = arith.constant 0 : i32
    %sign3A_4 = arith.cmpi slt, %get3A_0, %sign3A_3 : i32
    %sign3A_5 = arith.extui %sign3A_4 : i1 to i32
    %sign3A_6 = arith.subi %sign3A_2, %sign3A_5 : i32
    %sign3A_7 = arith.constant 0 : i32
    %sign3A_8 = arith.cmpi sgt, %jit3A, %sign3A_7 : i32
    %sign3A_9 = arith.extui %sign3A_8 : i1 to i32
    %sign3A_10 = arith.constant 0 : i32
    %sign3A_11 = arith.cmpi slt, %jit3A, %sign3A_10 : i32
    %sign3A_12 = arith.extui %sign3A_11 : i1 to i32
    %sign3A_13 = arith.subi %sign3A_9, %sign3A_12 : i32
    %ne3A = arith.cmpi ne, %sign3A_6, %sign3A_13 : i32
    %rem3A = arith.remsi %get3A_0, %jit3A : i32
    %ne3A_14 = arith.constant 0 : i32
    %ne3A_15 = arith.cmpi ne, %rem3A, %ne3A_14 : i32
    %and3A = arith.andi %ne3A, %ne3A_15 : i1
    %sub3A = arith.constant 1 : i32
    %sub3A_16 = arith.subi %div3A, %sub3A : i32
    %select_n3A = arith.select %and3A, %sub3A_16, %div3A : i32
    %c0_i32 = arith.constant 0 : i32
    return %select_n3A : i32
  }
}

</mosaic_0001>

<sc_bundles>
// kernel: kernel.5.cloned.1.call-start
scs
__scs_entry_jumppad:
0x0: {  	(pc) =	sbr.rel $0x88, $3  }
0x1: {  	(tag) =	ssettag $0x0;
	lr =	simm.s32 $0x1  }
0x2: {  	[smem:$0x3F9B] =	sst lr;
	_ =	strace $0xD0000000  }
0x3: {  	_ = 	snop  }
0x4: {  	_ = 	snop  }
0x5: {  	_ = 	snop  }
0x6: {  	_ = 	snop  }
0x7: {  	_ = 	snop  }
__scs_overlays_trampoline_lowered:
0x8: {  	[smem:$0x3FAA] =	sst s0  }
0x9: {  	[smem:$0x3FAB] =	sst s1  }
0xa: {  	[smem:$0x3FAC] =	sst s2  }
0xb: {  	[smem:$0x3FAD] =	sst s3  }
0xc: {  	[smem:$0x3FAE] =	sst s4  }
0xd: {  	[smem:$0x3FAF] =	sst s5  }
0xe: {  	[smem:$0x3FB0] =	sst s6  }
0xf: {  	[smem:$0x3FB1] =	sst s7  }
0x10: {  	[smem:$0x3FB2] =	sst s8  }
0x11: {  	[smem:$0x3FB3] =	sst s9;
	s0 =	simm.s32 @!p0 $0x0  }
0x12: {  	s1 =	sld [smem:$0x3F99];
	s0 =	simm.s32 @p0 $0x1  }
0x13: {  	[smem:$0x3FB4] =	sst s0;
	s0 =	simm.s32 @!p1 $0x0  }
0x14: {  	s2 =	sld [smem:$0x3F98];
	s0 =	simm.s32 @p1 $0x1  }
0x15: {  	[smem:$0x3FB5] =	sst s0;
	s0 =	simm.s32 @!p2 $0x0  }
0x16: {  	s3 =	sld [smem:$0x3FDB];
	s0 =	simm.s32 @p2 $0x1  }
0x17: {  	s4 =	simm.s32 $0x1BF5;
	[smem:$0x3FB7] =	sst s0  }
0x18: {  	s0 =	sld [smem:$0x3F9A];
	_ =	swait.ge [sflag:s4], $0x0  }
0x19: {  	s7 =	sld [smem:$0x3F9B]  }
0x1a: {  	s8 =	sadd.s32 $0xFFFFE003, lr  }
0x1b: {  	s9 =	sadd.s32 $0xFFFFFEF7, lr;
	s5 =	simm.s32 $0xFFFFFFFF;
	p2 =	slt.u32 s8, $0xFFFFF086  }
0x1c: {  	p1 =	slt.u32 s9, $0xF7A;
	s5 =	simm.s32 @!p2 $0x0  }
0x1d: {  	s5 =	simm.s32 @p1 $0x1;
	p0 =	seq.s32 s7, s2  }
0x1e: {  	s7 =	smul.u32 @!p0 $0xF7A, s2;
	p2 =	seq.s32 @!p0 s5, $0x0  }
0x1f: {  	s9 =	smul.u32 $0xF7A, s1;
	s8 =	simm.s32 @!p0 $0x1BF5;
	p2 =	por !p2, p0  }
0x20: {  	[sflag:s8] =	ssyncset.s32 @!p0 $0xFFFFF086;
	s6 =	sadd.s32 @!p0 s3, s7;
	s7 =	simm.s32 @!p0 $0x108  }
0x21: {  	s3 =	sadd.s32 s3, s9;
	s6 =	sadd.s32 @!p0 $0x88, s6;
	s7 =	simm.s32 @p2 $0x1082  }
0x22: {  	[simem:s7], [sflag:s8] =	dma.local @!p0 [hbm:s6], $0xF7A  }
0x23: {  	s9 =	sor.u32 $0xD0000000, s2;
	s6 =	simm.s32 $0x108;
	_ =	swait.ge @!p0 [sflag:s8], $0x0  }
0x24: {  	s3 =	sadd.s32 $0x88, s3;
	s6 =	simm.s32 @!p1 $0x1082;
	[sflag:s4] =	ssyncset.s32 $0xFFFFF086  }
0x25: {  	[simem:s6], [sflag:s4] =	dma.local [hbm:s3], $0xF7A  }
0x26: {  	[smem:$0x3F9B] =	sst s1;
	(tag) =	ssettag s2;
	_ =	strace s9  }
0x27: {  	s1 =	sld [smem:$0x3FAB]  }
0x28: {  	s2 =	sld [smem:$0x3FAC]  }
0x29: {  	s4 =	sld [smem:$0x3FAE]  }
0x2a: {  	p0 =	seq.s32 s5, $0x0;
	s5 =	sld [smem:$0x3FAF]  }
0x2b: {  	s6 =	sld [smem:$0x3FB0]  }
0x2c: {  	s7 =	sld [smem:$0x3FB1]  }
0x2d: {  	s3 =	simm.s32 $0x108;
	s8 =	sld [smem:$0x3FB2]  }
0x2e: {  	s3 =	simm.s32 @!p0 $0x1082;
	s9 =	sld [smem:$0x3FB3]  }
0x2f: {  	lr =	sadd.s32 s0, s3;
	s0 =	sld [smem:$0x3FAA]  }
0x30: {  	s3 =	sld [smem:$0x3FAD]  }
0x31: {  	[smem:$0x3FB6] =	sst s10  }
0x32: {  	s10 =	sld [smem:$0x3FB4];
	_ =	sdelay $0x3  }
0x33: {  	p0 =	seq.s32 s10, $0x1;
	s10 =	sld [smem:$0x3FB6];
	_ =	sdelay $0x3  }
0x34: {  	[smem:$0x3FB6] =	sst s10  }
0x35: {  	s10 =	sld [smem:$0x3FB5];
	_ =	sdelay $0x3  }
0x36: {  	p1 =	seq.s32 s10, $0x1;
	s10 =	sld [smem:$0x3FB6];
	_ =	sdelay $0x3  }
0x37: {  	[smem:$0x3FB6] =	sst s10  }
0x38: {  	s10 =	sld [smem:$0x3FB7]  }
0x39: {  	_ = 	snop;
	(pc) =	sbr.ind lr, $3  }
0x3a: {  	_ = 	snop  }
0x3b: {  	_ = 	snop  }
0x3c: {  	p2 =	seq.s32 s10, $0x1;
	s10 =	sld [smem:$0x3FB6]  }
0x3d: {  	_ =	shalt  }
0x3e: {  	_ =	shalt  }
0x3f: {  	_ =	shalt  }
0x40: {  	_ =	shalt  }
0x41: {  	_ =	shalt  }
0x42: {  	_ =	shalt  }
0x43: {  	_ =	shalt  }
0x44: {  	_ =	shalt  }
0x45: {  	_ =	shalt  }
0x46: {  	_ =	shalt  }
0x47: {  	_ =	shalt  }
0x48: {  	_ =	shalt  }
0x49: {  	_ =	shalt  }
0x4a: {  	_ =	shalt  }
0x4b: {  	_ =	shalt  }
0x4c: {  	_ =	shalt  }
0x4d: {  	_ =	shalt  }
0x4e: {  	_ =	shalt  }
0x4f: {  	_ =	shalt  }
0x50: {  	_ =	shalt  }
0x51: {  	_ =	shalt  }
0x52: {  	_ =	shalt  }
0x53: {  	_ =	shalt  }
0x54: {  	_ =	shalt  }
0x55: {  	_ =	shalt  }
0x56: {  	_ =	shalt  }
0x57: {  	_ =	shalt  }
0x58: {  	_ =	shalt  }
0x59: {  	_ =	shalt  }
0x5a: {  	_ =	shalt  }
0x5b: {  	_ =	shalt  }
0x5c: {  	_ =	shalt  }
0x5d: {  	_ =	shalt  }
0x5e: {  	_ =	shalt  }
0x5f: {  	_ =	shalt  }
0x60: {  	_ =	shalt  }
0x61: {  	_ =	shalt  }
0x62: {  	_ =	shalt  }
0x63: {  	_ =	shalt  }
0x64: {  	_ =	shalt  }
0x65: {  	_ =	shalt  }
0x66: {  	_ =	shalt  }
0x67: {  	_ =	shalt  }
0x68: {  	_ =	shalt  }
0x69: {  	_ =	shalt  }
0x6a: {  	_ =	shalt  }
0x6b: {  	_ =	shalt  }
0x6c: {  	_ =	shalt  }
0x6d: {  	_ =	shalt  }
0x6e: {  	_ =	shalt  }
0x6f: {  	_ =	shalt  }
0x70: {  	_ =	shalt  }
0x71: {  	_ =	shalt  }
0x72: {  	_ =	shalt  }
0x73: {  	_ =	shalt  }
0x74: {  	_ =	shalt  }
0x75: {  	_ =	shalt  }
0x76: {  	_ =	shalt  }
0x77: {  	_ =	shalt  }
0x78: {  	_ =	shalt  }
0x79: {  	_ =	shalt  }
0x7a: {  	_ =	shalt  }
0x7b: {  	_ =	shalt  }
0x7c: {  	_ =	shalt  }
0x7d: {  	_ =	shalt  }
0x7e: {  	_ =	shalt  }
0x7f: {  	_ =	shalt  }
0x80: {  	_ =	shalt  }
0x81: {  	_ =	shalt  }
0x82: {  	_ =	shalt  }
0x83: {  	_ =	shalt  }
0x84: {  	_ =	shalt  }
0x85: {  	_ =	shalt  }
0x86: {  	_ =	shalt  }
0x87: {  	_ =	shalt  }
.Lfunc_end0:
.L_simem_size_0:
called_computation_lowered:
.L_overlay_start_0:
0x88: {  	s2 =	sld [smem:$0x3FD9]  }
0x89: {  	s3 =	sld [smem:$0x3FFE];
	_ =	sdelay $0x1  }
0x8a: {  	s1 =	srdreg.scid  }
0x8b: {  	s0 =	sand.u32 $0x1, s1  }
0x8c: {  	s15 =	sshll.u32 s0, $0xA;
	s2 =	sadd.s32 s3, s2  }
0x8d: {  	s2 =	sadd.s32 s2, s15  }
0x8e: {  	[smem:$0x3FC2] =	sst s2  }
0x8f: {  	_ = 	snop  }
0x90: {  	s2 =	sld [smem:$0x3FD0];
	_ =	sdelay $0x1  }
0x91: {  	s16 =	sld [smem:$0x3FC8]  }
0x92: {  	s5 =	simm.s32 $0xA;
	s6 =	simm.s32 $0x10;
	s4 =	sld [smem:$0x3FC7]  }
0x93: {  	[smem:s6], [sflag:s5] =	dma.local [hbm:s2], $0x1  }
0x94: {  	_ =	swait.eq [sflag:s5], $0x1  }
0x95: {  	[sflag:s5] =	ssyncset.done $0x0  }
0x96: {  	s17 =	sld [smem:$0x12];
	[sflag:s5] =	ssyncadd.s32 $0xFFFFFFFF  }
0x97: {  	s18 =	sld [smem:$0x13];
	(tm) =	ssettm $0x1  }
0x98: {  	s19 =	sld [smem:$0x3FFB];
	_ =	sdelay $0x3  }
0x99: {  	_ =	strace s19  }
0x9a: {  	s6 =	sld [smem:$0x3FFC];
	_ =	sdelay $0x3  }
0x9b: {  	_ =	strace s6  }
0x9c: {  	s6 =	sld [smem:$0x3FFD];
	_ =	sdelay $0x3  }
0x9d: {  	_ =	strace s6  }
0x9e: {  	_ =	strace $0x8FFFFFFF  }
0x9f: {  	s20 =	sld [smem:$0x3FDB];
	_ =	sdelay $0x1  }
0xa0: {  	s7 =	simm.s32 $_scs_section_size  }
0xa1: {  	s8 =	simm.s32 $_size__tile_overlayer_lowered;
	s9 =	simm.s32 $_tile_overlayer_lowered  }
0xa2: {  	s23 =	simm.s32 $0x1BFF;
	s22 =	sshll.u32 s9, $0x1;
	s6 =	sadd.s32 s7, s20  }
0xa3: {  	s10 =	simm.s32 $0x0;
	s21 =	sshll.u32 s8, $0x1;
	s8 =	sadd.s32 s22, s6  }
0xa4: {  	[timem:s10], [sflag:s23] =	dma.local [hbm:s8], s21  }
0xa5: {  	_ =	swait.ge [sflag:s23], s21  }
0xa6: {  	s7 =	ssub.s32 $0x0, s21;
	[sflag:s23] =	ssyncset.done $0x0  }
0xa7: {  	[sflag:s23] =	ssyncadd.s32 s7;
	_ =	sdelay $0x1  }
0xa8: {  	s24 =	simm.s32 $0x1B8B  }
0xa9: {  	_ =	swait.ge [sflag:s24], $0x1  }
0xaa: {  	[sflag:s24] =	ssyncset.done $0x0  }
0xab: {  	s25 =	simm.s32 $0x1B8E;
	[sflag:s24] =	ssyncadd.s32 $0xFFFFFFFF  }
0xac: {  	s26 =	simm.s32 $execute0_lowered;
	[smem:$0x3FD2] =	sst s25  }
0xad: {  	s7 =	sshll.u32 s26, $0x1;
	_ =	strace $0x80000046;
	[dreg:$0x1] =	wrdreg $0xFFFFFFFF  }
0xae: {  	s28 =	simm.s32 $_size_execute0_lowered;
	s6 =	sadd.s32 s6, s7;
	[dreg:$0x0] =	wrdreg $0x0  }
0xaf: {  	s7 =	sshll.u32 s28, $0x1;
	[dreg:$0x2] =	wrdreg s6  }
0xb0: {  	[dreg:$0x3] =	wrdreg s7  }
0xb1: {  	[dreg:$0x4] =	wrdreg $0xC0  }
0xb2: {  	_ =	task [dreg:s10], $0x5FFFF  }
0xb3: {  	[dreg:$0x1] =	wrdreg $0xFFFFFFFF  }
0xb4: {  	[dreg:$0x0] =	wrdreg $0x60  }
0xb5: {  	[dreg:$0x2] =	wrdreg s16  }
0xb6: {  	[dreg:$0x3] =	wrdreg s4  }
0xb7: {  	[dreg:$0x4] =	wrdreg s17  }
0xb8: {  	[dreg:$0x5] =	wrdreg s18  }
0xb9: {  	[dreg:$0x6] =	wrdreg $0x9  }
0xba: {  	_ =	task.clear_ibuf [dreg:s10], $0x7FFFF;
	_ =	strace $0x90000046  }
0xbb: {  	s29 =	simm.s32 $0x9;
	_ =	strace $0x80000048  }
0xbc: {  	_ =	swait.ge [sflag:s29], $0x1  }
0xbd: {  	[sflag:s29] =	ssyncadd.s32 $0xFFFFFFFF  }
0xbe: {  	_ =	strace $0x90000048  }
0xbf: {  	_ =	sfence  }
0xc0: {  	s30 =	sld [smem:$0x0];
	_ =	sdelay $0x2  }
0xc1: {  	s31 =	sshll.u32 s1, $0xD;
	s1 =	sshrl.u32 s1, $0x2  }
0xc2: {  	s3 =	sand.u32 $0x4000, s31;
	s1 =	sadd.s32 s1, s30  }
0xc3: {  	s0 =	sor.u32 s3, s0;
	s1 =	sshll.u32 s1, $0x11  }
0xc4: {  	s0 =	sor.u32 s1, s0  }
0xc5: {  	s0 =	sadd.s32 $0x8F2B, s0  }
0xc6: {  	[sflag:s0] =	ssyncadd.remote.s32 $0x1  }
0xc7: {  	_ =	sfence.sel $0xFFFF  }
0xc8: {  	[dreg:$0x0] =	wrdreg $0xFFFFFFFF;
	(pc) =	sbr.abs _section_cstart, $3  }
0xc9: {  	[dreg:$0x1] =	wrdreg $0xFFFFFFFF  }
0xca: {  	_ =	task.clear_ibuf [dreg:s10], $0x2FFFF;
	_ =	strace $0x9FFFFFFF  }
0xcb: {  	(tm) =	ssettm $0x7FFFFFFF  }
tec
execute0_lowered:
.L_overlay_start_1:
0x0: {  	(tag) =	ssettag $0x1  }
0x1: {  	s9 =	rddreg [dreg:$0x0]  }
0x2: {  	s1 =	srdreg.scid;
	s0 =	stileid.u32  }
0x3: {  	s14 =	rddreg [dreg:$0x1];
	s15 =	sand.u32 $0x1, s1;
	s31 =	sshll.u32 s0, $0x1  }
0x4: {  	s13 =	rddreg [dreg:$0x2];
	s10 =	sor.u32 s15, s31  }
0x5: {  	s16 =	rddreg [dreg:$0x3];
	s2 =	simm.s32 $0x0;
	s8 =	smul.u32 $0xF42, s10  }
0x6: {  	s4 =	simm.s32 $0x1;
	[smem:$0x7FF] =	sst s2  }
0x7: {  	s1 =	rddreg [dreg:$0x4];
	_ =	strace $0x80000047;
	s3 =	sadd.s32 s9, s8  }
0x8: {  	[tilespmem:s2], [sflag:$0x1] =	stream.linear.gather [hbm4b:s3+s2], $0x7A10, $0x38;
	[tilespmem:$0xF580] =	vst v63  }
0x9: {  	_ =	swait.ge [sflag:s4], $0x7A10  }
0xa: {  	[sflag:s4] =	ssyncset.done $0x0  }
0xb: {  	s5 =	sadd.s32 s13, s8;
	[sflag:s4] =	ssyncadd.s32 $0xFFFF85F0  }
0xc: {  	[hbm4b:s5+s2] =	stream.linear.scatter [tilespmem:s2], [sflag:$0x1], $0x7A10, $0x38;
	[tilespmem:$0xF580] =	vst v63  }
0xd: {  	_ =	swait.ge [sflag:s4], $0x7A10  }
0xe: {  	[sflag:s4] =	ssyncset.done $0x0  }
0xf: {  	s7 =	simm.s32 $0x7A80;
	s6 =	sadd.s32 s14, s8;
	[sflag:s4] =	ssyncadd.s32 $0xFFFF85F0  }
0x10: {  	[tilespmem:s7], [sflag:$0x1] =	stream.linear.gather [hbm4b:s6+s2], $0x7A10, $0x38;
	[tilespmem:$0xF580] =	vst v63  }
0x11: {  	_ =	swait.ge [sflag:s4], $0x7A10  }
0x12: {  	[sflag:s4] =	ssyncset.done $0x0  }
0x13: {  	s8 =	sadd.s32 s16, s8;
	[sflag:s4] =	ssyncadd.s32 $0xFFFF85F0  }
0x14: {  	[hbm4b:s8+s2] =	stream.linear.scatter [tilespmem:s7], [sflag:$0x1], $0x7A10, $0x38;
	[tilespmem:$0xF580] =	vst v63  }
0x15: {  	p0 =	sne.s32 s10, $0x0;
	_ =	swait.ge [sflag:s4], $0x7A10  }
0x16: {  	s10 =	sadd.s32 $0x1E840, s9;
	s11 =	simm.s32 @!p0 $0x0;
	[sflag:s4] =	ssyncset.done $0x0  }
0x17: {  	s12 =	simm.s32 @!p0 $0xF500;
	s9 =	simm.s32 @!p0 $0x1;
	[sflag:s4] =	ssyncadd.s32 $0xFFFF85F0  }
0x18: {  	[tilespmem:s12], [sflag:$0x1] =	stream.linear.gather @!p0 [hbm4b:s10+s11], $0x40, $0x38;
	[tilespmem:$0xF580] =	vst v63  }
0x19: {  	_ =	swait.ge @!p0 [sflag:s9], $0x40  }
0x1a: {  	s15 =	ssub.s32 $0x2, s15;
	[sflag:s9] =	ssyncset.done @!p0 $0x0  }
0x1b: {  	s17 =	sshrl.u32 s15, $0x1;
	s13 =	sadd.s32 $0x1E840, s13;
	[sflag:s9] =	ssyncadd.s32 @!p0 $0xFFFFFFC0  }
0x1c: {  	[hbm4b:s13+s11] =	stream.linear.scatter @!p0 [tilespmem:s12], [sflag:$0x1], $0x40, $0x38;
	[tilespmem:$0xF580] =	vst v63  }
0x1d: {  	s15 =	ssub.s32 s15, s17;
	_ =	swait.ge @!p0 [sflag:s9], $0x40  }
0x1e: {  	s14 =	sadd.s32 $0x1E840, s14;
	s17 =	smax.u32 s15, $0x1;
	[sflag:s9] =	ssyncset.done @!p0 $0x0  }
0x1f: {  	s15 =	sadd.s32 $0x1E840, s16;
	s16 =	sadd.s32 $0xFFFFFFFF, s17;
	[sflag:s9] =	ssyncadd.s32 @!p0 $0xFFFFFFC0  }
0x20: {  	[tilespmem:s12], [sflag:$0x1] =	stream.linear.gather @!p0 [hbm4b:s14+s11], $0x40, $0x38;
	[tilespmem:$0xF580] =	vst v63  }
0x21: {  	p1 =	sne.s32 s16, $0x0;
	_ =	swait.ge @!p0 [sflag:s9], $0x40  }
.Ltmp0:
0x22: {  	[sflag:s9] =	ssyncset.done @!p0 $0x0;
	(pc) =	sbr.rel @!p1 .LBB2_2-.Ltmp0, $4  }
0x23: {  	[sflag:s9] =	ssyncadd.s32 @!p0 $0xFFFFFFC0  }
0x24: {  	[hbm4b:s15+s11] =	stream.linear.scatter @!p0 [tilespmem:s12], [sflag:$0x1], $0x40, $0x38;
	[tilespmem:$0xF580] =	vst v63  }
0x25: {  	_ =	swait.ge @!p0 [sflag:s9], $0x40  }
0x26: {  	[sflag:s9] =	ssyncset.done @!p0 $0x0  }
.LBB2_1:
0x27: {  	s16 =	sadd.s32 $0xFFFFFFFF, s16;
	[sflag:s9] =	ssyncadd.s32 @!p0 $0xFFFFFFC0  }
0x28: {  	[tilespmem:s2], [sflag:$0x1] =	stream.linear.gather [hbm4b:s3+s2], $0x7A10, $0x38;
	[tilespmem:$0xF580] =	vst v63  }
0x29: {  	p1 =	sne.s32 s16, $0x0;
	_ =	swait.ge [sflag:s4], $0x7A10  }
0x2a: {  	[sflag:s4] =	ssyncset.done $0x0  }
0x2b: {  	[sflag:s4] =	ssyncadd.s32 $0xFFFF85F0  }
0x2c: {  	[hbm4b:s5+s2] =	stream.linear.scatter [tilespmem:s2], [sflag:$0x1], $0x7A10, $0x38;
	[tilespmem:$0xF580] =	vst v63  }
0x2d: {  	_ =	swait.ge [sflag:s4], $0x7A10  }
0x2e: {  	[sflag:s4] =	ssyncset.done $0x0  }
0x2f: {  	[sflag:s4] =	ssyncadd.s32 $0xFFFF85F0  }
0x30: {  	[tilespmem:s7], [sflag:$0x1] =	stream.linear.gather [hbm4b:s6+s2], $0x7A10, $0x38;
	[tilespmem:$0xF580] =	vst v63  }
0x31: {  	_ =	swait.ge [sflag:s4], $0x7A10  }
0x32: {  	[sflag:s4] =	ssyncset.done $0x0  }
0x33: {  	[sflag:s4] =	ssyncadd.s32 $0xFFFF85F0  }
0x34: {  	[hbm4b:s8+s2] =	stream.linear.scatter [tilespmem:s7], [sflag:$0x1], $0x7A10, $0x38;
	[tilespmem:$0xF580] =	vst v63  }
0x35: {  	_ =	swait.ge [sflag:s4], $0x7A10  }
0x36: {  	[sflag:s4] =	ssyncset.done $0x0  }
0x37: {  	[sflag:s4] =	ssyncadd.s32 $0xFFFF85F0  }
0x38: {  	[tilespmem:s12], [sflag:$0x1] =	stream.linear.gather @!p0 [hbm4b:s10+s11], $0x40, $0x38;
	[tilespmem:$0xF580] =	vst v63  }
0x39: {  	_ =	swait.ge @!p0 [sflag:s9], $0x40  }
0x3a: {  	[sflag:s9] =	ssyncset.done @!p0 $0x0  }
0x3b: {  	[sflag:s9] =	ssyncadd.s32 @!p0 $0xFFFFFFC0  }
0x3c: {  	[hbm4b:s13+s11] =	stream.linear.scatter @!p0 [tilespmem:s12], [sflag:$0x1], $0x40, $0x38;
	[tilespmem:$0xF580] =	vst v63  }
0x3d: {  	_ =	swait.ge @!p0 [sflag:s9], $0x40  }
0x3e: {  	[sflag:s9] =	ssyncset.done @!p0 $0x0  }
0x3f: {  	[sflag:s9] =	ssyncadd.s32 @!p0 $0xFFFFFFC0  }
0x40: {  	[tilespmem:s12], [sflag:$0x1] =	stream.linear.gather @!p0 [hbm4b:s14+s11], $0x40, $0x38;
	[tilespmem:$0xF580] =	vst v63  }
0x41: {  	_ =	swait.ge @!p0 [sflag:s9], $0x40  }
.Ltmp1:
0x42: {  	[sflag:s9] =	ssyncset.done @!p0 $0x0;
	(pc) =	sbr.rel @p1 .LBB2_1-.Ltmp1, $4  }
0x43: {  	[sflag:s9] =	ssyncadd.s32 @!p0 $0xFFFFFFC0  }
0x44: {  	[hbm4b:s15+s11] =	stream.linear.scatter @!p0 [tilespmem:s12], [sflag:$0x1], $0x40, $0x38;
	[tilespmem:$0xF580] =	vst v63  }
0x45: {  	_ =	swait.ge @!p0 [sflag:s9], $0x40  }
0x46: {  	[sflag:s9] =	ssyncset.done @!p0 $0x0  }
.LBB2_2:
0x47: {  	[sflag:s9] =	ssyncadd.s32 @!p0 $0xFFFFFFC0  }
0x48: {  	_ =	sfence.sel $0x180000  }
0x49: {  	[bflag:$0x0] =	sbarrier.arrive $0xFFFF  }
0x4a: {  	p0 =	sne.s32 s0, $0x0;
	_ =	strace $0x90000047  }
0x4b: {  	s0 =	sadd.s32 @!p0 $0x100000, s1;
	[bflag:$0x2] =	sbarrier.arrive $0xFFFF  }
0x4c: {  	[sflag:s0] =	ssyncadd.tile.s32 @!p0 $0x1;
	_ =	shalt  }
.Lfunc_end2:
_tile_overlayer_lowered:
.L_overlay_start_2:
0x4d: {  	(tag) =	ssettag $0x2  }
0x4e: {  	s0 =	rddreg [dreg:$0x0];
	s2 =	stileid.u32  }
0x4f: {  	s1 =	rddreg [dreg:$0x1];
	p0 =	sne.s32 s2, $0x0  }
0x50: {  	s3 =	rddreg [dreg:$0x2];
	[bflag:$0x3] =	sbarrier.arrive $0xFFFF;
	s2 =	simm.s32 @!p0 $0x1C01  }
0x51: {  	[timem:s3], [sflag:s2] =	dma.local @!p0 [hbm:s0], s1  }
0x52: {  	s0 =	simm.s32 @!p0 $0x1  }
0x53: {  	_ =	swait.ge @!p0 [sflag:s0], s1  }
0x54: {  	s1 =	ssub.s32 @!p0 $0x0, s1;
	[sflag:s0] =	ssyncset.done @!p0 $0x0  }
0x55: {  	[sflag:s0] =	ssyncadd.s32 @!p0 s1  }
0x56: {  	[bflag:$0x3] =	sbarrier.arrive $0xFFFF  }
0x57: {  	_ =	shalt  }

</sc_bundles>
